<compile_context>
chip_gen: v7x
topology: tpu7x:2x2x1
jax: 0.10.2.dev20260603
libtpu: 0.0.44.dev20260713+nightly
codegen_flags: <defaults>
</compile_context>

<pallas_src>
import functools

import jax
import jax.numpy as jnp
from jax import lax
from jax.experimental import pallas as pl
from jax.experimental.pallas import tpu as pltpu
from jax.experimental.pallas import tpu_sc as plsc

N_TOTAL = 100000
L = 16
NS = 16

BLK = 60416
N_TC = 60416
N_SC = N_TOTAL - N_TC
CH = 2560

_mesh = plsc.VectorSubcoreMesh(core_axis_name="c", subcore_axis_name="s",
                               num_cores=1)


@functools.partial(
    pl.kernel,
    out_type=jax.ShapeDtypeStruct((N_SC,), jnp.float32),
    mesh=_mesh,
    scratch_types=[
        pltpu.VMEM((CH,), jnp.float32),
        pltpu.VMEM((CH,), jnp.int32),
        pltpu.VMEM((CH,), jnp.float32),
        pltpu.VMEM((L,), jnp.float32),
        pltpu.VMEM((L,), jnp.float32),
        pltpu.SemaphoreType.DMA,
        pltpu.SemaphoreType.DMA,
        pltpu.SemaphoreType.DMA,
    ],
)
def _rescale_sc(x_hbm, t_hbm, shift_hbm, scale_hbm, out_hbm,
                x_v, t_v, o_v, sc_v, sh_v, sem_tab, sem_x, sem_t):
    wid = lax.axis_index("s")
    base = jnp.minimum(wid * CH, N_SC - CH)

    c_sc = pltpu.async_copy(scale_hbm, sc_v, sem_tab)
    c_sh = pltpu.async_copy(shift_hbm, sh_v, sem_tab)
    c_x = pltpu.async_copy(x_hbm.at[pl.ds(N_TC + base, CH)], x_v, sem_x)
    c_t = pltpu.async_copy(t_hbm.at[pl.ds(N_TC + base, CH)], t_v, sem_t)
    c_sc.wait()
    c_sh.wait()
    scale_reg = sc_v[...]
    shift_reg = sh_v[...]
    c_x.wait()
    c_t.wait()

    @plsc.parallel_loop(0, CH, step=L, unroll=8)
    def _(off):
        t = t_v[pl.ds(off, L)]
        xv = x_v[pl.ds(off, L)]
        s = scale_reg.at[t].get(mode="promise_in_bounds")
        b = shift_reg.at[t].get(mode="promise_in_bounds")
        o_v[pl.ds(off, L)] = xv * s + b

    pltpu.sync_copy(o_v, out_hbm.at[pl.ds(base, CH)])


def _rescale_tc_body(x_ref, t_ref, shift_ref, scale_ref, o_ref):
    t = t_ref[...]
    xv = x_ref[...]
    s = jnp.full_like(xv, scale_ref[0])
    b = jnp.full_like(xv, shift_ref[0])
    for k in range(1, L):
        m = t == k
        s = jnp.where(m, scale_ref[k], s)
        b = jnp.where(m, shift_ref[k], b)
    o_ref[...] = xv * s + b


_rescale_tc = pl.pallas_call(
    _rescale_tc_body,
    grid=(N_TC // BLK,),
    in_specs=[
        pl.BlockSpec((BLK,), lambda i: (i,)),
        pl.BlockSpec((BLK,), lambda i: (i,)),
        pl.BlockSpec(memory_space=pltpu.SMEM),
        pl.BlockSpec(memory_space=pltpu.SMEM),
    ],
    out_specs=pl.BlockSpec((BLK,), lambda i: (i,)),
    out_shape=jax.ShapeDtypeStruct((N_TC,), jnp.float32),
)


def kernel(x, atom_type, shift, scale):
    xf = x.reshape(-1)
    t = atom_type.astype(jnp.int32)
    sc_out = _rescale_sc(xf, t, shift, scale)
    tc_out = _rescale_tc(xf, t, shift, scale)
    out = jnp.concatenate([tc_out, sc_out])
    return out.reshape(N_TOTAL, 1)

# --- scband reference (transcript-rebuilt; emitter-appended) ---
"""Pipeline reference for scband-species-wise-rescale-33328946217133 (READ-ONLY COPY).

The authoritative reference and input builder live on the scoring server;
editing this copy changes nothing except your own understanding.
"""

import jax, jax.numpy as jnp
import numpy as np

N_ATOMS = 100000
NUM_SPECIES = 16

SHIFT = [-1.0, -2.0, -3.0, -4.0, -0.5, -1.5, -2.5, -3.5, -0.25, -1.25, -2.25, -3.25, -0.75, -1.75, -2.75, -3.75]
SCALE = [0.5, 0.6, 0.7, 0.8, 0.9, 1.0, 1.1, 1.2, 1.3, 1.4, 1.5, 1.6, 1.7, 1.8, 1.9, 2.0]


def setup_inputs(seed: int = 0) -> dict:
    key = jax.random.key(seed)
    k1, k2 = jax.random.split(key)
    x = jax.random.normal(k1, (N_ATOMS, 1), dtype=jnp.float32)
    atom_type = jax.random.randint(k2, (N_ATOMS,), 0, NUM_SPECIES, dtype=jnp.int64 if jax.config.read('jax_enable_x64') else jnp.int32)
    shift = jnp.asarray(SHIFT, dtype=jnp.float32)
    scale = jnp.asarray(SCALE, dtype=jnp.float32)
    return {"x": x, "atom_type": atom_type, "shift": shift, "scale": scale}


def reference(x, atom_type, shift, scale):
    # data[out] = data[in] * scale[indices].view(-1, 1) + shift[indices].view(-1, 1)
    s = jnp.take(scale, atom_type, axis=0)[:, None]
    b = jnp.take(shift, atom_type, axis=0)[:, None]
    return x * s + b

if __name__ == "__main__":
    import jax
    _d = setup_inputs()
    print(jax.jit(kernel)(*tuple(_d.values())))

</pallas_src>

<mosaic_0001>
#map = affine_map<(d0, d1) -> (0)>
module attributes {stable_mosaic.version = 14 : i64} {
  func.func @_rescale_sc(%arg0: i32, %arg1: i32, %arg2: memref<100000xf32, #tpu.memory_space<hbm>>, %arg3: memref<100000xi32, #tpu.memory_space<hbm>>, %arg4: memref<16xf32, #tpu.memory_space<hbm>>, %arg5: memref<16xf32, #tpu.memory_space<hbm>>, %arg6: memref<39584xf32, #tpu.memory_space<hbm>>, %arg7: memref<2560xf32, #tpu.memory_space<vmem>>, %arg8: memref<2560xi32, #tpu.memory_space<vmem>>, %arg9: memref<2560xf32, #tpu.memory_space<vmem>>, %arg10: memref<16xf32, #tpu.memory_space<vmem>>, %arg11: memref<16xf32, #tpu.memory_space<vmem>>, %arg12: memref<!tpu.dma_semaphore, #tpu.memory_space<semaphore_mem>>, %arg13: memref<!tpu.dma_semaphore, #tpu.memory_space<semaphore_mem>>, %arg14: memref<!tpu.dma_semaphore, #tpu.memory_space<semaphore_mem>>) attributes {dimension_semantics = [#tpu.dimension_semantics<core_parallel>, #tpu.dimension_semantics<subcore_parallel>], iteration_bounds = array<i64: 1, 16>, scalar_prefetch = 0 : i64, scratch_operands = 8 : i64, tpu.core_type = #tpu.core_type<sc_vector_subcore>, window_params = [{transform_indices = #map}, {transform_indices = #map}, {transform_indices = #map}, {transform_indices = #map}, {transform_indices = #map}]} {
    %mul3A = arith.constant 2560 : i32
    %mul3A_0 = arith.muli %arg1, %mul3A : i32
    %min3A = arith.constant 37024 : i32
    %min3A_1 = arith.minsi %mul3A_0, %min3A : i32
    tpu.enqueue_dma source(%arg5 : memref<16xf32, #tpu.memory_space<hbm>>) target(%arg10 : memref<16xf32, #tpu.memory_space<vmem>>) target_semaphore(%arg12 : memref<!tpu.dma_semaphore, #tpu.memory_space<semaphore_mem>>)
    tpu.enqueue_dma source(%arg4 : memref<16xf32, #tpu.memory_space<hbm>>) target(%arg11 : memref<16xf32, #tpu.memory_space<vmem>>) target_semaphore(%arg12 : memref<!tpu.dma_semaphore, #tpu.memory_space<semaphore_mem>>)
    %add3A = arith.constant 60416 : i32
    %add3A_2 = arith.addi %add3A, %min3A_1 : i32
    %dma_start3A = tpu.memref_slice %arg2[%add3A_2] : memref<100000xf32, #tpu.memory_space<hbm>> -> memref<2560xf32, #tpu.memory_space<hbm>>
    %dma_start3A_3 = tpu.memref_slice %arg2[%add3A_2] : memref<100000xf32, #tpu.memory_space<hbm>> -> memref<2560xf32, #tpu.memory_space<hbm>>
    tpu.enqueue_dma source(%dma_start3A_3 : memref<2560xf32, #tpu.memory_space<hbm>>) target(%arg7 : memref<2560xf32, #tpu.memory_space<vmem>>) target_semaphore(%arg13 : memref<!tpu.dma_semaphore, #tpu.memory_space<semaphore_mem>>)
    %add3A_4 = arith.constant 60416 : i32
    %add3A_5 = arith.addi %add3A_4, %min3A_1 : i32
    %dma_start3A_6 = tpu.memref_slice %arg3[%add3A_5] : memref<100000xi32, #tpu.memory_space<hbm>> -> memref<2560xi32, #tpu.memory_space<hbm>>
    %dma_start3A_7 = tpu.memref_slice %arg3[%add3A_5] : memref<100000xi32, #tpu.memory_space<hbm>> -> memref<2560xi32, #tpu.memory_space<hbm>>
    tpu.enqueue_dma source(%dma_start3A_7 : memref<2560xi32, #tpu.memory_space<hbm>>) target(%arg8 : memref<2560xi32, #tpu.memory_space<vmem>>) target_semaphore(%arg14 : memref<!tpu.dma_semaphore, #tpu.memory_space<semaphore_mem>>)
    tpu.wait_dma2 semaphore(%arg12 : memref<!tpu.dma_semaphore, #tpu.memory_space<semaphore_mem>>) src(%arg5 : memref<16xf32, #tpu.memory_space<hbm>>) dst(%arg10 : memref<16xf32, #tpu.memory_space<vmem>>)
    tpu.wait_dma2 semaphore(%arg12 : memref<!tpu.dma_semaphore, #tpu.memory_space<semaphore_mem>>) src(%arg4 : memref<16xf32, #tpu.memory_space<hbm>>) dst(%arg11 : memref<16xf32, #tpu.memory_space<vmem>>)
    %get3A = arith.constant 0 : index
    %get3A_8 = tpu.vector_load %arg10[%get3A] {strides = array<i32>} : memref<16xf32, #tpu.memory_space<vmem>>, vector<16xf32>,
    %get3A_9 = vector.shape_cast %get3A_8 : vector<16xf32> to vector<16xf32>
    %get3A_10 = arith.constant 0 : index
    %get3A_11 = tpu.vector_load %arg11[%get3A_10] {strides = array<i32>} : memref<16xf32, #tpu.memory_space<vmem>>, vector<16xf32>,
    %get3A_12 = vector.shape_cast %get3A_11 : vector<16xf32> to vector<16xf32>
    %dma_wait3A = tpu.memref_slice %arg2[%add3A_2] : memref<100000xf32, #tpu.memory_space<hbm>> -> memref<2560xf32, #tpu.memory_space<hbm>>
    %dma_wait3A_13 = tpu.memref_slice %arg2[%add3A_2] : memref<100000xf32, #tpu.memory_space<hbm>> -> memref<2560xf32, #tpu.memory_space<hbm>>
    tpu.wait_dma2 semaphore(%arg13 : memref<!tpu.dma_semaphore, #tpu.memory_space<semaphore_mem>>) src(%dma_wait3A_13 : memref<2560xf32, #tpu.memory_space<hbm>>) dst(%arg7 : memref<2560xf32, #tpu.memory_space<vmem>>)
    %dma_wait3A_14 = tpu.memref_slice %arg3[%add3A_5] : memref<100000xi32, #tpu.memory_space<hbm>> -> memref<2560xi32, #tpu.memory_space<hbm>>
    %dma_wait3A_15 = tpu.memref_slice %arg3[%add3A_5] : memref<100000xi32, #tpu.memory_space<hbm>> -> memref<2560xi32, #tpu.memory_space<hbm>>
    tpu.wait_dma2 semaphore(%arg14 : memref<!tpu.dma_semaphore, #tpu.memory_space<semaphore_mem>>) src(%dma_wait3A_15 : memref<2560xi32, #tpu.memory_space<hbm>>) dst(%arg8 : memref<2560xi32, #tpu.memory_space<vmem>>)
    %parallel_loop3A = arith.constant 0 : i32
    %parallel_loop3A_16 = arith.constant 2560 : i32
    %parallel_loop3A_17 = arith.constant 16 : i32
    scf.for %parallel_loop3A_18 = %parallel_loop3A to %parallel_loop3A_16 step %parallel_loop3A_17  : i32 {
      %parallel_loop3A_19 = arith.index_cast %parallel_loop3A_18 : i32 to index
      %parallel_loop3A_20 = tpu.vector_load %arg8[%parallel_loop3A_19] {strides = array<i32>} : memref<2560xi32, #tpu.memory_space<vmem>>, vector<16xi32>,
      %parallel_loop3A_21 = vector.shape_cast %parallel_loop3A_20 : vector<16xi32> to vector<16xi32>
      %parallel_loop3A_22 = arith.index_cast %parallel_loop3A_18 : i32 to index
      %parallel_loop3A_23 = tpu.vector_load %arg7[%parallel_loop3A_22] {strides = array<i32>} : memref<2560xf32, #tpu.memory_space<vmem>>, vector<16xf32>,
      %parallel_loop3A_24 = vector.shape_cast %parallel_loop3A_23 : vector<16xf32> to vector<16xf32>
      %parallel_loop3A_25 = arith.constant 0 : i32
      %parallel_loop3A_26 = vector.broadcast %parallel_loop3A_25 : i32 to vector<16xi32>
      %parallel_loop3A_27 = arith.cmpi slt, %parallel_loop3A_21, %parallel_loop3A_26 : vector<16xi32>
      %parallel_loop3A_28 = arith.constant 16 : i32
      %parallel_loop3A_29 = vector.broadcast %parallel_loop3A_28 : i32 to vector<16xi32>
      %parallel_loop3A_30 = arith.addi %parallel_loop3A_21, %parallel_loop3A_29 : vector<16xi32>
      %parallel_loop3A_31 = arith.select %parallel_loop3A_27, %parallel_loop3A_30, %parallel_loop3A_21 : vector<16xi1>, vector<16xi32>
      %parallel_loop3A_32 = vector.shape_cast %parallel_loop3A_31 : vector<16xi32> to vector<16x1xi32>
      %parallel_loop3A_33 = vector.shape_cast %parallel_loop3A_32 : vector<16x1xi32> to vector<16xi32>
      %parallel_loop3A_34 = tpu.dynamic_gather %get3A_9[%parallel_loop3A_33] in [0] : vector<16xf32>, vector<16xi32> -> vector<16xf32>
      %parallel_loop3A_35 = arith.constant 0 : i32
      %parallel_loop3A_36 = vector.broadcast %parallel_loop3A_35 : i32 to vector<16xi32>
      %parallel_loop3A_37 = arith.cmpi slt, %parallel_loop3A_21, %parallel_loop3A_36 : vector<16xi32>
      %parallel_loop3A_38 = arith.constant 16 : i32
      %parallel_loop3A_39 = vector.broadcast %parallel_loop3A_38 : i32 to vector<16xi32>
      %parallel_loop3A_40 = arith.addi %parallel_loop3A_21, %parallel_loop3A_39 : vector<16xi32>
      %parallel_loop3A_41 = arith.select %parallel_loop3A_37, %parallel_loop3A_40, %parallel_loop3A_21 : vector<16xi1>, vector<16xi32>
      %parallel_loop3A_42 = vector.shape_cast %parallel_loop3A_41 : vector<16xi32> to vector<16x1xi32>
      %parallel_loop3A_43 = vector.shape_cast %parallel_loop3A_42 : vector<16x1xi32> to vector<16xi32>
      %parallel_loop3A_44 = tpu.dynamic_gather %get3A_12[%parallel_loop3A_43] in [0] : vector<16xf32>, vector<16xi32> -> vector<16xf32>
      %parallel_loop3A_45 = arith.mulf %parallel_loop3A_24, %parallel_loop3A_34 : vector<16xf32>
      %parallel_loop3A_46 = arith.addf %parallel_loop3A_45, %parallel_loop3A_44 : vector<16xf32>
      %parallel_loop3A_47 = arith.index_cast %parallel_loop3A_18 : i32 to index
      %parallel_loop3A_48 = tpu.vector_load %arg9[%parallel_loop3A_47] {strides = array<i32>} : memref<2560xf32, #tpu.memory_space<vmem>>, vector<16xf32>,
      %parallel_loop3A_49 = vector.shape_cast %parallel_loop3A_48 : vector<16xf32> to vector<16xf32>
      %parallel_loop3A_50 = vector.shape_cast %parallel_loop3A_46 : vector<16xf32> to vector<16xf32>
      tpu.vector_store %arg9[%parallel_loop3A_47], %parallel_loop3A_50 {strides = array<i32>} : memref<2560xf32, #tpu.memory_space<vmem>>, vector<16xf32>,
    } {sc.loop_unroll_factor = 8 : i64, sc.parallel_access}
    "tpu.region"() ({
      %run_scoped3A = tpu.sem_alloc : memref<!tpu.dma_semaphore, #tpu.memory_space<semaphore_mem>>
      %dma_start3A_18 = tpu.memref_slice %arg6[%min3A_1] : memref<39584xf32, #tpu.memory_space<hbm>> -> memref<2560xf32, #tpu.memory_space<hbm>>
      %dma_start3A_19 = tpu.memref_slice %arg6[%min3A_1] : memref<39584xf32, #tpu.memory_space<hbm>> -> memref<2560xf32, #tpu.memory_space<hbm>>
      tpu.enqueue_dma source(%arg9 : memref<2560xf32, #tpu.memory_space<vmem>>) target(%dma_start3A_19 : memref<2560xf32, #tpu.memory_space<hbm>>) target_semaphore(%run_scoped3A : memref<!tpu.dma_semaphore, #tpu.memory_space<semaphore_mem>>)
      %dma_wait3A_20 = tpu.memref_slice %arg6[%min3A_1] : memref<39584xf32, #tpu.memory_space<hbm>> -> memref<2560xf32, #tpu.memory_space<hbm>>
      %dma_wait3A_21 = tpu.memref_slice %arg6[%min3A_1] : memref<39584xf32, #tpu.memory_space<hbm>> -> memref<2560xf32, #tpu.memory_space<hbm>>
      tpu.wait_dma2 semaphore(%run_scoped3A : memref<!tpu.dma_semaphore, #tpu.memory_space<semaphore_mem>>) src(%arg9 : memref<2560xf32, #tpu.memory_space<vmem>>) dst(%dma_wait3A_21 : memref<2560xf32, #tpu.memory_space<hbm>>)
      tpu.yield
    }) : () -> ()
    return
  }
}

module attributes {stable_mosaic.version = 14 : i64} {
  func.func @_rescale_tc_body(%arg0: i32, %arg1: memref<60416xf32, #tpu.memory_space<vmem>>, %arg2: memref<60416xi32, #tpu.memory_space<vmem>>, %arg3: memref<16xf32, #tpu.memory_space<smem>>, %arg4: memref<16xf32, #tpu.memory_space<smem>>, %arg5: memref<60416xf32, #tpu.memory_space<vmem>>) attributes {dimension_semantics = [#tpu.dimension_semantics<arbitrary>], iteration_bounds = array<i64: 1>, scalar_prefetch = 0 : i64, scratch_operands = 0 : i64, tpu.core_type = #tpu.core_type<tc>, window_params = [{transform_indices = @transform_0, window_bounds = array<i64: 60416>}, {transform_indices = @transform_1, window_bounds = array<i64: 60416>}, {transform_indices = @transform_2, window_bounds = array<i64: 16>}, {transform_indices = @transform_3, window_bounds = array<i64: 16>}, {transform_indices = @transform_4, window_bounds = array<i64: 60416>}]} {
    %get3A = arith.constant 0 : index
    %get3A_0 = vector.load %arg2[%get3A] : memref<60416xi32, #tpu.memory_space<vmem>>, vector<60416xi32>
    %get3A_1 = arith.constant 0 : index
    %get3A_2 = vector.load %arg1[%get3A_1] : memref<60416xf32, #tpu.memory_space<vmem>>, vector<60416xf32>
    %get3A_3 = arith.constant 0 : index
    %get3A_4 = memref.load %arg4[%get3A_3] : memref<16xf32, #tpu.memory_space<smem>>
    %broadcast_in_dim3A = vector.broadcast %get3A_4 : f32 to vector<60416xf32>
    %get3A_5 = arith.constant 0 : index
    %get3A_6 = memref.load %arg3[%get3A_5] : memref<16xf32, #tpu.memory_space<smem>>
    %broadcast_in_dim3A_7 = vector.broadcast %get3A_6 : f32 to vector<60416xf32>
    %eq3A = arith.constant 1 : i32
    %eq3A_8 = vector.broadcast %eq3A : i32 to vector<60416xi32>
    %eq3A_9 = arith.cmpi eq, %get3A_0, %eq3A_8 : vector<60416xi32>
    %get3A_10 = arith.constant 1 : index
    %get3A_11 = memref.load %arg4[%get3A_10] : memref<16xf32, #tpu.memory_space<smem>>
    %broadcast_in_dim3A_12 = vector.broadcast %get3A_11 : f32 to vector<60416xf32>
    %select_n3A = arith.select %eq3A_9, %broadcast_in_dim3A_12, %broadcast_in_dim3A : vector<60416xi1>, vector<60416xf32>
    %get3A_13 = arith.constant 1 : index
    %get3A_14 = memref.load %arg3[%get3A_13] : memref<16xf32, #tpu.memory_space<smem>>
    %broadcast_in_dim3A_15 = vector.broadcast %get3A_14 : f32 to vector<60416xf32>
    %select_n3A_16 = arith.select %eq3A_9, %broadcast_in_dim3A_15, %broadcast_in_dim3A_7 : vector<60416xi1>, vector<60416xf32>
    %eq3A_17 = arith.constant 2 : i32
    %eq3A_18 = vector.broadcast %eq3A_17 : i32 to vector<60416xi32>
    %eq3A_19 = arith.cmpi eq, %get3A_0, %eq3A_18 : vector<60416xi32>
    %get3A_20 = arith.constant 2 : index
    %get3A_21 = memref.load %arg4[%get3A_20] : memref<16xf32, #tpu.memory_space<smem>>
    %broadcast_in_dim3A_22 = vector.broadcast %get3A_21 : f32 to vector<60416xf32>
    %select_n3A_23 = arith.select %eq3A_19, %broadcast_in_dim3A_22, %select_n3A : vector<60416xi1>, vector<60416xf32>
    %get3A_24 = arith.constant 2 : index
    %get3A_25 = memref.load %arg3[%get3A_24] : memref<16xf32, #tpu.memory_space<smem>>
    %broadcast_in_dim3A_26 = vector.broadcast %get3A_25 : f32 to vector<60416xf32>
    %select_n3A_27 = arith.select %eq3A_19, %broadcast_in_dim3A_26, %select_n3A_16 : vector<60416xi1>, vector<60416xf32>
    %eq3A_28 = arith.constant 3 : i32
    %eq3A_29 = vector.broadcast %eq3A_28 : i32 to vector<60416xi32>
    %eq3A_30 = arith.cmpi eq, %get3A_0, %eq3A_29 : vector<60416xi32>
    %get3A_31 = arith.constant 3 : index
    %get3A_32 = memref.load %arg4[%get3A_31] : memref<16xf32, #tpu.memory_space<smem>>
    %broadcast_in_dim3A_33 = vector.broadcast %get3A_32 : f32 to vector<60416xf32>
    %select_n3A_34 = arith.select %eq3A_30, %broadcast_in_dim3A_33, %select_n3A_23 : vector<60416xi1>, vector<60416xf32>
    %get3A_35 = arith.constant 3 : index
    %get3A_36 = memref.load %arg3[%get3A_35] : memref<16xf32, #tpu.memory_space<smem>>
    %broadcast_in_dim3A_37 = vector.broadcast %get3A_36 : f32 to vector<60416xf32>
    %select_n3A_38 = arith.select %eq3A_30, %broadcast_in_dim3A_37, %select_n3A_27 : vector<60416xi1>, vector<60416xf32>
    %eq3A_39 = arith.constant 4 : i32
    %eq3A_40 = vector.broadcast %eq3A_39 : i32 to vector<60416xi32>
    %eq3A_41 = arith.cmpi eq, %get3A_0, %eq3A_40 : vector<60416xi32>
    %get3A_42 = arith.constant 4 : index
    %get3A_43 = memref.load %arg4[%get3A_42] : memref<16xf32, #tpu.memory_space<smem>>
    %broadcast_in_dim3A_44 = vector.broadcast %get3A_43 : f32 to vector<60416xf32>
    %select_n3A_45 = arith.select %eq3A_41, %broadcast_in_dim3A_44, %select_n3A_34 : vector<60416xi1>, vector<60416xf32>
    %get3A_46 = arith.constant 4 : index
    %get3A_47 = memref.load %arg3[%get3A_46] : memref<16xf32, #tpu.memory_space<smem>>
    %broadcast_in_dim3A_48 = vector.broadcast %get3A_47 : f32 to vector<60416xf32>
    %select_n3A_49 = arith.select %eq3A_41, %broadcast_in_dim3A_48, %select_n3A_38 : vector<60416xi1>, vector<60416xf32>
    %eq3A_50 = arith.constant 5 : i32
    %eq3A_51 = vector.broadcast %eq3A_50 : i32 to vector<60416xi32>
    %eq3A_52 = arith.cmpi eq, %get3A_0, %eq3A_51 : vector<60416xi32>
    %get3A_53 = arith.constant 5 : index
    %get3A_54 = memref.load %arg4[%get3A_53] : memref<16xf32, #tpu.memory_space<smem>>
    %broadcast_in_dim3A_55 = vector.broadcast %get3A_54 : f32 to vector<60416xf32>
    %select_n3A_56 = arith.select %eq3A_52, %broadcast_in_dim3A_55, %select_n3A_45 : vector<60416xi1>, vector<60416xf32>
    %get3A_57 = arith.constant 5 : index
    %get3A_58 = memref.load %arg3[%get3A_57] : memref<16xf32, #tpu.memory_space<smem>>
    %broadcast_in_dim3A_59 = vector.broadcast %get3A_58 : f32 to vector<60416xf32>
    %select_n3A_60 = arith.select %eq3A_52, %broadcast_in_dim3A_59, %select_n3A_49 : vector<60416xi1>, vector<60416xf32>
    %eq3A_61 = arith.constant 6 : i32
    %eq3A_62 = vector.broadcast %eq3A_61 : i32 to vector<60416xi32>
    %eq3A_63 = arith.cmpi eq, %get3A_0, %eq3A_62 : vector<60416xi32>
    %get3A_64 = arith.constant 6 : index
    %get3A_65 = memref.load %arg4[%get3A_64] : memref<16xf32, #tpu.memory_space<smem>>
    %broadcast_in_dim3A_66 = vector.broadcast %get3A_65 : f32 to vector<60416xf32>
    %select_n3A_67 = arith.select %eq3A_63, %broadcast_in_dim3A_66, %select_n3A_56 : vector<60416xi1>, vector<60416xf32>
    %get3A_68 = arith.constant 6 : index
    %get3A_69 = memref.load %arg3[%get3A_68] : memref<16xf32, #tpu.memory_space<smem>>
    %broadcast_in_dim3A_70 = vector.broadcast %get3A_69 : f32 to vector<60416xf32>
    %select_n3A_71 = arith.select %eq3A_63, %broadcast_in_dim3A_70, %select_n3A_60 : vector<60416xi1>, vector<60416xf32>
    %eq3A_72 = arith.constant 7 : i32
    %eq3A_73 = vector.broadcast %eq3A_72 : i32 to vector<60416xi32>
    %eq3A_74 = arith.cmpi eq, %get3A_0, %eq3A_73 : vector<60416xi32>
    %get3A_75 = arith.constant 7 : index
    %get3A_76 = memref.load %arg4[%get3A_75] : memref<16xf32, #tpu.memory_space<smem>>
    %broadcast_in_dim3A_77 = vector.broadcast %get3A_76 : f32 to vector<60416xf32>
    %select_n3A_78 = arith.select %eq3A_74, %broadcast_in_dim3A_77, %select_n3A_67 : vector<60416xi1>, vector<60416xf32>
    %get3A_79 = arith.constant 7 : index
    %get3A_80 = memref.load %arg3[%get3A_79] : memref<16xf32, #tpu.memory_space<smem>>
    %broadcast_in_dim3A_81 = vector.broadcast %get3A_80 : f32 to vector<60416xf32>
    %select_n3A_82 = arith.select %eq3A_74, %broadcast_in_dim3A_81, %select_n3A_71 : vector<60416xi1>, vector<60416xf32>
    %eq3A_83 = arith.constant 8 : i32
    %eq3A_84 = vector.broadcast %eq3A_83 : i32 to vector<60416xi32>
    %eq3A_85 = arith.cmpi eq, %get3A_0, %eq3A_84 : vector<60416xi32>
    %get3A_86 = arith.constant 8 : index
    %get3A_87 = memref.load %arg4[%get3A_86] : memref<16xf32, #tpu.memory_space<smem>>
    %broadcast_in_dim3A_88 = vector.broadcast %get3A_87 : f32 to vector<60416xf32>
    %select_n3A_89 = arith.select %eq3A_85, %broadcast_in_dim3A_88, %select_n3A_78 : vector<60416xi1>, vector<60416xf32>
    %get3A_90 = arith.constant 8 : index
    %get3A_91 = memref.load %arg3[%get3A_90] : memref<16xf32, #tpu.memory_space<smem>>
    %broadcast_in_dim3A_92 = vector.broadcast %get3A_91 : f32 to vector<60416xf32>
    %select_n3A_93 = arith.select %eq3A_85, %broadcast_in_dim3A_92, %select_n3A_82 : vector<60416xi1>, vector<60416xf32>
    %eq3A_94 = arith.constant 9 : i32
    %eq3A_95 = vector.broadcast %eq3A_94 : i32 to vector<60416xi32>
    %eq3A_96 = arith.cmpi eq, %get3A_0, %eq3A_95 : vector<60416xi32>
    %get3A_97 = arith.constant 9 : index
    %get3A_98 = memref.load %arg4[%get3A_97] : memref<16xf32, #tpu.memory_space<smem>>
    %broadcast_in_dim3A_99 = vector.broadcast %get3A_98 : f32 to vector<60416xf32>
    %select_n3A_100 = arith.select %eq3A_96, %broadcast_in_dim3A_99, %select_n3A_89 : vector<60416xi1>, vector<60416xf32>
    %get3A_101 = arith.constant 9 : index
    %get3A_102 = memref.load %arg3[%get3A_101] : memref<16xf32, #tpu.memory_space<smem>>
    %broadcast_in_dim3A_103 = vector.broadcast %get3A_102 : f32 to vector<60416xf32>
    %select_n3A_104 = arith.select %eq3A_96, %broadcast_in_dim3A_103, %select_n3A_93 : vector<60416xi1>, vector<60416xf32>
    %eq3A_105 = arith.constant 10 : i32
    %eq3A_106 = vector.broadcast %eq3A_105 : i32 to vector<60416xi32>
    %eq3A_107 = arith.cmpi eq, %get3A_0, %eq3A_106 : vector<60416xi32>
    %get3A_108 = arith.constant 10 : index
    %get3A_109 = memref.load %arg4[%get3A_108] : memref<16xf32, #tpu.memory_space<smem>>
    %broadcast_in_dim3A_110 = vector.broadcast %get3A_109 : f32 to vector<60416xf32>
    %select_n3A_111 = arith.select %eq3A_107, %broadcast_in_dim3A_110, %select_n3A_100 : vector<60416xi1>, vector<60416xf32>
    %get3A_112 = arith.constant 10 : index
    %get3A_113 = memref.load %arg3[%get3A_112] : memref<16xf32, #tpu.memory_space<smem>>
    %broadcast_in_dim3A_114 = vector.broadcast %get3A_113 : f32 to vector<60416xf32>
    %select_n3A_115 = arith.select %eq3A_107, %broadcast_in_dim3A_114, %select_n3A_104 : vector<60416xi1>, vector<60416xf32>
    %eq3A_116 = arith.constant 11 : i32
    %eq3A_117 = vector.broadcast %eq3A_116 : i32 to vector<60416xi32>
    %eq3A_118 = arith.cmpi eq, %get3A_0, %eq3A_117 : vector<60416xi32>
    %get3A_119 = arith.constant 11 : index
    %get3A_120 = memref.load %arg4[%get3A_119] : memref<16xf32, #tpu.memory_space<smem>>
    %broadcast_in_dim3A_121 = vector.broadcast %get3A_120 : f32 to vector<60416xf32>
    %select_n3A_122 = arith.select %eq3A_118, %broadcast_in_dim3A_121, %select_n3A_111 : vector<60416xi1>, vector<60416xf32>
    %get3A_123 = arith.constant 11 : index
    %get3A_124 = memref.load %arg3[%get3A_123] : memref<16xf32, #tpu.memory_space<smem>>
    %broadcast_in_dim3A_125 = vector.broadcast %get3A_124 : f32 to vector<60416xf32>
    %select_n3A_126 = arith.select %eq3A_118, %broadcast_in_dim3A_125, %select_n3A_115 : vector<60416xi1>, vector<60416xf32>
    %eq3A_127 = arith.constant 12 : i32
    %eq3A_128 = vector.broadcast %eq3A_127 : i32 to vector<60416xi32>
    %eq3A_129 = arith.cmpi eq, %get3A_0, %eq3A_128 : vector<60416xi32>
    %get3A_130 = arith.constant 12 : index
    %get3A_131 = memref.load %arg4[%get3A_130] : memref<16xf32, #tpu.memory_space<smem>>
    %broadcast_in_dim3A_132 = vector.broadcast %get3A_131 : f32 to vector<60416xf32>
    %select_n3A_133 = arith.select %eq3A_129, %broadcast_in_dim3A_132, %select_n3A_122 : vector<60416xi1>, vector<60416xf32>
    %get3A_134 = arith.constant 12 : index
    %get3A_135 = memref.load %arg3[%get3A_134] : memref<16xf32, #tpu.memory_space<smem>>
    %broadcast_in_dim3A_136 = vector.broadcast %get3A_135 : f32 to vector<60416xf32>
    %select_n3A_137 = arith.select %eq3A_129, %broadcast_in_dim3A_136, %select_n3A_126 : vector<60416xi1>, vector<60416xf32>
    %eq3A_138 = arith.constant 13 : i32
    %eq3A_139 = vector.broadcast %eq3A_138 : i32 to vector<60416xi32>
    %eq3A_140 = arith.cmpi eq, %get3A_0, %eq3A_139 : vector<60416xi32>
    %get3A_141 = arith.constant 13 : index
    %get3A_142 = memref.load %arg4[%get3A_141] : memref<16xf32, #tpu.memory_space<smem>>
    %broadcast_in_dim3A_143 = vector.broadcast %get3A_142 : f32 to vector<60416xf32>
    %select_n3A_144 = arith.select %eq3A_140, %broadcast_in_dim3A_143, %select_n3A_133 : vector<60416xi1>, vector<60416xf32>
    %get3A_145 = arith.constant 13 : index
    %get3A_146 = memref.load %arg3[%get3A_145] : memref<16xf32, #tpu.memory_space<smem>>
    %broadcast_in_dim3A_147 = vector.broadcast %get3A_146 : f32 to vector<60416xf32>
    %select_n3A_148 = arith.select %eq3A_140, %broadcast_in_dim3A_147, %select_n3A_137 : vector<60416xi1>, vector<60416xf32>
    %eq3A_149 = arith.constant 14 : i32
    %eq3A_150 = vector.broadcast %eq3A_149 : i32 to vector<60416xi32>
    %eq3A_151 = arith.cmpi eq, %get3A_0, %eq3A_150 : vector<60416xi32>
    %get3A_152 = arith.constant 14 : index
    %get3A_153 = memref.load %arg4[%get3A_152] : memref<16xf32, #tpu.memory_space<smem>>
    %broadcast_in_dim3A_154 = vector.broadcast %get3A_153 : f32 to vector<60416xf32>
    %select_n3A_155 = arith.select %eq3A_151, %broadcast_in_dim3A_154, %select_n3A_144 : vector<60416xi1>, vector<60416xf32>
    %get3A_156 = arith.constant 14 : index
    %get3A_157 = memref.load %arg3[%get3A_156] : memref<16xf32, #tpu.memory_space<smem>>
    %broadcast_in_dim3A_158 = vector.broadcast %get3A_157 : f32 to vector<60416xf32>
    %select_n3A_159 = arith.select %eq3A_151, %broadcast_in_dim3A_158, %select_n3A_148 : vector<60416xi1>, vector<60416xf32>
    %eq3A_160 = arith.constant 15 : i32
    %eq3A_161 = vector.broadcast %eq3A_160 : i32 to vector<60416xi32>
    %eq3A_162 = arith.cmpi eq, %get3A_0, %eq3A_161 : vector<60416xi32>
    %get3A_163 = arith.constant 15 : index
    %get3A_164 = memref.load %arg4[%get3A_163] : memref<16xf32, #tpu.memory_space<smem>>
    %broadcast_in_dim3A_165 = vector.broadcast %get3A_164 : f32 to vector<60416xf32>
    %select_n3A_166 = arith.select %eq3A_162, %broadcast_in_dim3A_165, %select_n3A_155 : vector<60416xi1>, vector<60416xf32>
    %get3A_167 = arith.constant 15 : index
    %get3A_168 = memref.load %arg3[%get3A_167] : memref<16xf32, #tpu.memory_space<smem>>
    %broadcast_in_dim3A_169 = vector.broadcast %get3A_168 : f32 to vector<60416xf32>
    %select_n3A_170 = arith.select %eq3A_162, %broadcast_in_dim3A_169, %select_n3A_159 : vector<60416xi1>, vector<60416xf32>
    %mul3A = arith.mulf %get3A_2, %select_n3A_166 : vector<60416xf32>
    %add3A = arith.addf %mul3A, %select_n3A_170 : vector<60416xf32>
    %swap3A = arith.constant 0 : index
    %swap3A_171 = vector.load %arg5[%swap3A] : memref<60416xf32, #tpu.memory_space<vmem>>, vector<60416xf32>
    tpu.vector_store %arg5[%swap3A], %add3A {strides = array<i32>} : memref<60416xf32, #tpu.memory_space<vmem>>, vector<60416xf32>,
    return
  }
  func.func @transform_0(%arg0: i32) -> i32 {
    %c0_i32 = arith.constant 0 : i32
    return %arg0 : i32
  }
  func.func @transform_1(%arg0: i32) -> i32 {
    %c0_i32 = arith.constant 0 : i32
    return %arg0 : i32
  }
  func.func @transform_2(%arg0: i32) -> i32 {
    %c0_i32 = arith.constant 0 : i32
    %c0_i32_0 = arith.constant 0 : i32
    return %c0_i32 : i32
  }
  func.func @transform_3(%arg0: i32) -> i32 {
    %c0_i32 = arith.constant 0 : i32
    %c0_i32_0 = arith.constant 0 : i32
    return %c0_i32 : i32
  }
  func.func @transform_4(%arg0: i32) -> i32 {
    %c0_i32 = arith.constant 0 : i32
    return %arg0 : i32
  }
}

</mosaic_0001>

<sc_bundles>
// kernel: kernel.4.cloned.1.call-start
scs
__scs_entry_jumppad:
0x0: {  	(pc) =	sbr.rel $0x88, $3  }
0x1: {  	(tag) =	ssettag $0x0;
	lr =	simm.s32 $0x1  }
0x2: {  	[smem:$0x3F9D] =	sst lr;
	_ =	strace $0xD0000000  }
0x3: {  	_ = 	snop  }
0x4: {  	_ = 	snop  }
0x5: {  	_ = 	snop  }
0x6: {  	_ = 	snop  }
0x7: {  	_ = 	snop  }
__scs_overlays_trampoline_lowered:
0x8: {  	[smem:$0x3FAC] =	sst s0  }
0x9: {  	[smem:$0x3FAD] =	sst s1  }
0xa: {  	[smem:$0x3FAE] =	sst s2  }
0xb: {  	[smem:$0x3FAF] =	sst s3  }
0xc: {  	[smem:$0x3FB0] =	sst s4  }
0xd: {  	[smem:$0x3FB1] =	sst s5  }
0xe: {  	[smem:$0x3FB2] =	sst s6  }
0xf: {  	[smem:$0x3FB3] =	sst s7  }
0x10: {  	[smem:$0x3FB4] =	sst s8  }
0x11: {  	[smem:$0x3FB5] =	sst s9;
	s0 =	simm.s32 @!p0 $0x0  }
0x12: {  	s1 =	sld [smem:$0x3F9B];
	s0 =	simm.s32 @p0 $0x1  }
0x13: {  	[smem:$0x3FB6] =	sst s0;
	s0 =	simm.s32 @!p1 $0x0  }
0x14: {  	s2 =	sld [smem:$0x3F9A];
	s0 =	simm.s32 @p1 $0x1  }
0x15: {  	[smem:$0x3FB7] =	sst s0;
	s0 =	simm.s32 @!p2 $0x0  }
0x16: {  	s3 =	sld [smem:$0x3FDB];
	s0 =	simm.s32 @p2 $0x1  }
0x17: {  	s4 =	simm.s32 $0x1BF5;
	[smem:$0x3FB9] =	sst s0  }
0x18: {  	s0 =	sld [smem:$0x3F9C];
	_ =	swait.ge [sflag:s4], $0x0  }
0x19: {  	s7 =	sld [smem:$0x3F9D]  }
0x1a: {  	s8 =	sadd.s32 $0xFFFFE003, lr  }
0x1b: {  	s9 =	sadd.s32 $0xFFFFFEF7, lr;
	s5 =	simm.s32 $0xFFFFFFFF;
	p2 =	slt.u32 s8, $0xFFFFF086  }
0x1c: {  	p1 =	slt.u32 s9, $0xF7A;
	s5 =	simm.s32 @!p2 $0x0  }
0x1d: {  	s5 =	simm.s32 @p1 $0x1;
	p0 =	seq.s32 s7, s2  }
0x1e: {  	s7 =	smul.u32 @!p0 $0xF7A, s2;
	p2 =	seq.s32 @!p0 s5, $0x0  }
0x1f: {  	s9 =	smul.u32 $0xF7A, s1;
	s8 =	simm.s32 @!p0 $0x1BF5;
	p2 =	por !p2, p0  }
0x20: {  	[sflag:s8] =	ssyncset.s32 @!p0 $0xFFFFF086;
	s6 =	sadd.s32 @!p0 s3, s7;
	s7 =	simm.s32 @!p0 $0x108  }
0x21: {  	s3 =	sadd.s32 s3, s9;
	s6 =	sadd.s32 @!p0 $0x88, s6;
	s7 =	simm.s32 @p2 $0x1082  }
0x22: {  	[simem:s7], [sflag:s8] =	dma.local @!p0 [hbm:s6], $0xF7A  }
0x23: {  	s9 =	sor.u32 $0xD0000000, s2;
	s6 =	simm.s32 $0x108;
	_ =	swait.ge @!p0 [sflag:s8], $0x0  }
0x24: {  	s3 =	sadd.s32 $0x88, s3;
	s6 =	simm.s32 @!p1 $0x1082;
	[sflag:s4] =	ssyncset.s32 $0xFFFFF086  }
0x25: {  	[simem:s6], [sflag:s4] =	dma.local [hbm:s3], $0xF7A  }
0x26: {  	[smem:$0x3F9D] =	sst s1;
	(tag) =	ssettag s2;
	_ =	strace s9  }
0x27: {  	s1 =	sld [smem:$0x3FAD]  }
0x28: {  	s2 =	sld [smem:$0x3FAE]  }
0x29: {  	s4 =	sld [smem:$0x3FB0]  }
0x2a: {  	p0 =	seq.s32 s5, $0x0;
	s5 =	sld [smem:$0x3FB1]  }
0x2b: {  	s6 =	sld [smem:$0x3FB2]  }
0x2c: {  	s7 =	sld [smem:$0x3FB3]  }
0x2d: {  	s3 =	simm.s32 $0x108;
	s8 =	sld [smem:$0x3FB4]  }
0x2e: {  	s3 =	simm.s32 @!p0 $0x1082;
	s9 =	sld [smem:$0x3FB5]  }
0x2f: {  	lr =	sadd.s32 s0, s3;
	s0 =	sld [smem:$0x3FAC]  }
0x30: {  	s3 =	sld [smem:$0x3FAF]  }
0x31: {  	[smem:$0x3FB8] =	sst s10  }
0x32: {  	s10 =	sld [smem:$0x3FB6];
	_ =	sdelay $0x3  }
0x33: {  	p0 =	seq.s32 s10, $0x1;
	s10 =	sld [smem:$0x3FB8];
	_ =	sdelay $0x3  }
0x34: {  	[smem:$0x3FB8] =	sst s10  }
0x35: {  	s10 =	sld [smem:$0x3FB7];
	_ =	sdelay $0x3  }
0x36: {  	p1 =	seq.s32 s10, $0x1;
	s10 =	sld [smem:$0x3FB8];
	_ =	sdelay $0x3  }
0x37: {  	[smem:$0x3FB8] =	sst s10  }
0x38: {  	s10 =	sld [smem:$0x3FB9]  }
0x39: {  	_ = 	snop;
	(pc) =	sbr.ind lr, $3  }
0x3a: {  	_ = 	snop  }
0x3b: {  	_ = 	snop  }
0x3c: {  	p2 =	seq.s32 s10, $0x1;
	s10 =	sld [smem:$0x3FB8]  }
0x3d: {  	_ =	shalt  }
0x3e: {  	_ =	shalt  }
0x3f: {  	_ =	shalt  }
0x40: {  	_ =	shalt  }
0x41: {  	_ =	shalt  }
0x42: {  	_ =	shalt  }
0x43: {  	_ =	shalt  }
0x44: {  	_ =	shalt  }
0x45: {  	_ =	shalt  }
0x46: {  	_ =	shalt  }
0x47: {  	_ =	shalt  }
0x48: {  	_ =	shalt  }
0x49: {  	_ =	shalt  }
0x4a: {  	_ =	shalt  }
0x4b: {  	_ =	shalt  }
0x4c: {  	_ =	shalt  }
0x4d: {  	_ =	shalt  }
0x4e: {  	_ =	shalt  }
0x4f: {  	_ =	shalt  }
0x50: {  	_ =	shalt  }
0x51: {  	_ =	shalt  }
0x52: {  	_ =	shalt  }
0x53: {  	_ =	shalt  }
0x54: {  	_ =	shalt  }
0x55: {  	_ =	shalt  }
0x56: {  	_ =	shalt  }
0x57: {  	_ =	shalt  }
0x58: {  	_ =	shalt  }
0x59: {  	_ =	shalt  }
0x5a: {  	_ =	shalt  }
0x5b: {  	_ =	shalt  }
0x5c: {  	_ =	shalt  }
0x5d: {  	_ =	shalt  }
0x5e: {  	_ =	shalt  }
0x5f: {  	_ =	shalt  }
0x60: {  	_ =	shalt  }
0x61: {  	_ =	shalt  }
0x62: {  	_ =	shalt  }
0x63: {  	_ =	shalt  }
0x64: {  	_ =	shalt  }
0x65: {  	_ =	shalt  }
0x66: {  	_ =	shalt  }
0x67: {  	_ =	shalt  }
0x68: {  	_ =	shalt  }
0x69: {  	_ =	shalt  }
0x6a: {  	_ =	shalt  }
0x6b: {  	_ =	shalt  }
0x6c: {  	_ =	shalt  }
0x6d: {  	_ =	shalt  }
0x6e: {  	_ =	shalt  }
0x6f: {  	_ =	shalt  }
0x70: {  	_ =	shalt  }
0x71: {  	_ =	shalt  }
0x72: {  	_ =	shalt  }
0x73: {  	_ =	shalt  }
0x74: {  	_ =	shalt  }
0x75: {  	_ =	shalt  }
0x76: {  	_ =	shalt  }
0x77: {  	_ =	shalt  }
0x78: {  	_ =	shalt  }
0x79: {  	_ =	shalt  }
0x7a: {  	_ =	shalt  }
0x7b: {  	_ =	shalt  }
0x7c: {  	_ =	shalt  }
0x7d: {  	_ =	shalt  }
0x7e: {  	_ =	shalt  }
0x7f: {  	_ =	shalt  }
0x80: {  	_ =	shalt  }
0x81: {  	_ =	shalt  }
0x82: {  	_ =	shalt  }
0x83: {  	_ =	shalt  }
0x84: {  	_ =	shalt  }
0x85: {  	_ =	shalt  }
0x86: {  	_ =	shalt  }
0x87: {  	_ =	shalt  }
.Lfunc_end0:
.L_simem_size_0:
called_computation_lowered:
.L_overlay_start_0:
0x88: {  	s0 =	sld [smem:$0x3FD9]  }
0x89: {  	s1 =	sld [smem:$0x3FFE];
	_ =	sdelay $0x3  }
0x8a: {  	s0 =	sadd.s32 s1, s0  }
0x8b: {  	[smem:$0x3FC4] =	sst s0  }
0x8c: {  	_ = 	snop  }
0x8d: {  	s0 =	sld [smem:$0x3FC8]  }
0x8e: {  	s16 =	sld [smem:$0x3FC7]  }
0x8f: {  	s2 =	sld [smem:$0x3FC6]  }
0x90: {  	s3 =	sld [smem:$0x3FD0];
	(tm) =	ssettm $0x1  }
0x91: {  	s4 =	sld [smem:$0x3FFB];
	_ =	sdelay $0x3  }
0x92: {  	_ =	strace s4  }
0x93: {  	s4 =	sld [smem:$0x3FFC];
	_ =	sdelay $0x3  }
0x94: {  	_ =	strace s4  }
0x95: {  	s4 =	sld [smem:$0x3FFD];
	_ =	sdelay $0x3  }
0x96: {  	_ =	strace s4  }
0x97: {  	_ =	strace $0x8FFFFFFF  }
0x98: {  	s17 =	sld [smem:$0x3FDB];
	_ =	sdelay $0x1  }
0x99: {  	s5 =	simm.s32 $_scs_section_size  }
0x9a: {  	s6 =	simm.s32 $_size__tile_overlayer_lowered;
	s7 =	simm.s32 $_tile_overlayer_lowered  }
0x9b: {  	s20 =	simm.s32 $0x1BFF;
	s19 =	sshll.u32 s7, $0x1;
	s4 =	sadd.s32 s5, s17  }
0x9c: {  	s8 =	simm.s32 $0x0;
	s18 =	sshll.u32 s6, $0x1;
	s6 =	sadd.s32 s19, s4  }
0x9d: {  	[timem:s8], [sflag:s20] =	dma.local [hbm:s6], s18  }
0x9e: {  	_ =	swait.ge [sflag:s20], s18  }
0x9f: {  	s5 =	ssub.s32 $0x0, s18;
	[sflag:s20] =	ssyncset.done $0x0  }
0xa0: {  	[sflag:s20] =	ssyncadd.s32 s5;
	_ =	sdelay $0x1  }
0xa1: {  	s21 =	simm.s32 $0x1B8B  }
0xa2: {  	_ =	swait.ge [sflag:s21], $0x1  }
0xa3: {  	[sflag:s21] =	ssyncset.done $0x0  }
0xa4: {  	s23 =	simm.s32 $0x1B8E;
	s22 =	sld [smem:$0x3FFE];
	[sflag:s21] =	ssyncadd.s32 $0xFFFFFFFF  }
0xa5: {  	s24 =	simm.s32 $execute0_lowered;
	[smem:$0x3FD2] =	sst s23  }
0xa6: {  	s6 =	sshll.u32 s24, $0x1;
	_ =	strace $0x80000046;
	[dreg:$0x1] =	wrdreg $0xFFFFFFFF  }
0xa7: {  	s25 =	simm.s32 $_size_execute0_lowered;
	s4 =	sadd.s32 s4, s6;
	[dreg:$0x0] =	wrdreg $0x0  }
0xa8: {  	s6 =	sshll.u32 s25, $0x1;
	[dreg:$0x2] =	wrdreg s4  }
0xa9: {  	[dreg:$0x3] =	wrdreg s6  }
0xaa: {  	[dreg:$0x4] =	wrdreg $0xC0  }
0xab: {  	_ =	task [dreg:s8], $0x5FFFF  }
0xac: {  	[dreg:$0x1] =	wrdreg $0xFFFFFFFF  }
0xad: {  	[dreg:$0x0] =	wrdreg $0x60  }
0xae: {  	[dreg:$0x2] =	wrdreg s22  }
0xaf: {  	[dreg:$0x3] =	wrdreg s0  }
0xb0: {  	[dreg:$0x4] =	wrdreg s16  }
0xb1: {  	[dreg:$0x5] =	wrdreg s2  }
0xb2: {  	[dreg:$0x6] =	wrdreg s3  }
0xb3: {  	[dreg:$0x7] =	wrdreg $0x9  }
0xb4: {  	_ =	task.clear_ibuf [dreg:s8], $0x8FFFF;
	_ =	strace $0x90000046  }
0xb5: {  	s26 =	simm.s32 $0x9;
	_ =	strace $0x80000048  }
0xb6: {  	_ =	swait.ge [sflag:s26], $0x1  }
0xb7: {  	[sflag:s26] =	ssyncadd.s32 $0xFFFFFFFF  }
0xb8: {  	_ =	strace $0x90000048  }
0xb9: {  	_ =	sfence  }
0xba: {  	s28 =	sld [smem:$0x0];
	_ =	sdelay $0x1  }
0xbb: {  	s29 =	srdreg.scid  }
0xbc: {  	s30 =	sshll.u32 s29, $0xD;
	s31 =	sshrl.u32 s29, $0x2  }
0xbd: {  	s1 =	sand.u32 $0x1, s29;
	s2 =	sand.u32 $0x4000, s30;
	s0 =	sadd.s32 s31, s28  }
0xbe: {  	s1 =	sor.u32 s2, s1;
	s0 =	sshll.u32 s0, $0x11  }
0xbf: {  	s0 =	sor.u32 s0, s1  }
0xc0: {  	s0 =	sadd.s32 $0x8F2B, s0  }
0xc1: {  	[sflag:s0] =	ssyncadd.remote.s32 $0x1  }
0xc2: {  	_ =	sfence.sel $0xFFFF  }
0xc3: {  	[dreg:$0x0] =	wrdreg $0xFFFFFFFF;
	(pc) =	sbr.abs _section_cstart, $3  }
0xc4: {  	[dreg:$0x1] =	wrdreg $0xFFFFFFFF  }
0xc5: {  	_ =	task.clear_ibuf [dreg:s8], $0x2FFFF;
	_ =	strace $0x9FFFFFFF  }
0xc6: {  	(tm) =	ssettm $0x7FFFFFFF  }
0xc7: {  	_ =	shalt  }
tec
execute0_lowered:
.L_overlay_start_1:
0x0: {  	(tag) =	ssettag $0x1  }
0x1: {  	s4 =	rddreg [dreg:$0x0]  }
0x2: {  	s5 =	rddreg [dreg:$0x1]  }
0x3: {  	s6 =	rddreg [dreg:$0x2]  }
0x4: {  	s7 =	rddreg [dreg:$0x3]  }
0x5: {  	s0 =	stileid.u32;
	s2 =	rddreg [dreg:$0x4]  }
0x6: {  	s1 =	rddreg [dreg:$0x5];
	s8 =	simm.s32 $0x0;
	s3 =	smul.u32 $0xA00, s0  }
0x7: {  	[smem:$0x7FF] =	sst s8  }
0x8: {  	s9 =	simm.s32 $0x1E00;
	_ =	strace $0x80000047;
	s3 =	smin.u32 s3, $0x90A0  }
0x9: {  	[tilespmem:s9], [sflag:$0x1] =	stream.linear.gather [hbm4b:s7+s8], $0x80, $0x38;
	[tilespmem:$0x1F00] =	vst v63  }
0xa: {  	s3 =	sshrl.u32 s3, $0x3  }
0xb: {  	s24 =	simm.s32 $0x1E80;
	s23 =	sadd.s32 $0x1D80, s3  }
0xc: {  	[tilespmem:s24], [sflag:$0x1] =	stream.linear.gather [hbm4b:s6+s8], $0x80, $0x38;
	[tilespmem:$0x1F00] =	vst v63  }
0xd: {  	s4 =	sadd.s32 s23, s4  }
0xe: {  	s4 =	sadd.s32 $0x800, s4  }
0xf: {  	[tilespmem:s8], [sflag:$0x2] =	stream.linear.gather [hbm4b:s4+s8], $0xA00, $0x38;
	[tilespmem:$0x1F00] =	vst v63  }
0x10: {  	s26 =	simm.s32 $0xA00;
	s28 =	simm.s32 $0x1;
	s25 =	sadd.s32 s5, s23  }
0x11: {  	[tilespmem:s26], [sflag:$0x3] =	stream.linear.gather [hbm4b:s25+s8], $0xA00, $0x38;
	[tilespmem:$0x1F00] =	vst v63  }
0x12: {  	_ =	swait.ge [sflag:s28], $0x80  }
0x13: {  	[sflag:s28] =	ssyncset.done $0x0  }
0x14: {  	[sflag:s28] =	ssyncadd.s32 $0xFFFFFF80  }
0x15: {  	_ =	swait.ge [sflag:s28], $0x80  }
0x16: {  	[sflag:s28] =	ssyncset.done $0x0  }
0x17: {  	[sflag:s28] =	ssyncadd.s32 $0xFFFFFF80  }
0x18: {  	s29 =	simm.s32 $0x2;
	v0 =	vld [tilespmem:$0x1E00]  }
0x19: {  	v1 =	vld [tilespmem:$0x1E80];
	_ =	swait.ge [sflag:s29], $0xA00  }
0x1a: {  	[sflag:s29] =	ssyncset.done $0x0  }
0x1b: {  	s30 =	simm.s32 $0x3;
	[sflag:s29] =	ssyncadd.s32 $0xFFFFF600  }
0x1c: {  	_ =	swait.ge [sflag:s30], $0xA00  }
0x1d: {  	[sflag:s30] =	ssyncset.done $0x0  }
0x1e: {  	s31 =	simm.s32 $0xA40;
	[sflag:s30] =	ssyncadd.s32 $0xFFFFF600  }
0x1f: {  	v2 =	vld [tilespmem:s31+$0x30]  }
0x20: {  	v3 =	vld [tilespmem:s31+$0xFFFFFFD0]  }
0x21: {  	s4 =	simm.s32 $0x40;
	v4 =	vld [tilespmem:s31+$0xFFFFFFE0]  }
0x22: {  	v5 =	vld [tilespmem:s4+$0x30]  }
0x23: {  	v11 =	vld [tilespmem:s31+$0x10]  }
0x24: {  	v12 =	vld [tilespmem:s31+$0x20]  }
0x25: {  	v16 =	vld [tilespmem:s31+$0xFFFFFFC0]  }
0x26: {  	v6 =	vand.u32 $0xF, v2  }
0x27: {  	v8 =	vld [tilespmem:s31+$0xFFFFFFF0];
	v2 =	vand.u32 $0xF, v3;
	v4 =	vand.u32 $0xF, v4;
	v3 =	vperm.xlane v0, v6  }
0x28: {  	v10 =	vld [tilespmem:s31+$0x0];
	v18 =	vand.u32 $0xF, v11;
	v13 =	vperm.xlane v0, v2;
	v2 =	vperm.xlane v1, v2  }
0x29: {  	v22 =	vand.u32 $0xF, v12;
	v14 =	vperm.xlane v1, v6;
	v7 =	vperm.xlane v0, v4  }
0x2a: {  	v17 =	vld [tilespmem:s4+$0xFFFFFFD0];
	v19 =	vand.u32 $0xF, v16;
	v11 =	vperm.xlane v0, v18;
	v5 =	vmul.f32 v3, v5  }
0x2b: {  	v6 =	vld [tilespmem:s4+$0xFFFFFFC0];
	v12 =	vperm.xlane v0, v22;
	v20 =	vperm.xlane v0, v19  }
0x2c: {  	v3 =	vperm.xlane v1, v4;
	v4 =	vand.u32 $0xF, v8;
	v21 =	vadd.f32 v14, v5;
	v14 =	vld [tilespmem:s4+$0xFFFFFFE0]  }
0x2d: {  	v15 =	vld [tilespmem:s4+$0xFFFFFFF0];
	v19 =	vperm.xlane v1, v19;
	v8 =	vand.u32 $0xF, v10;
	v9 =	vperm.xlane v0, v4  }
0x2e: {  	v16 =	vld [tilespmem:s4+$0x0];
	v4 =	vperm.xlane v1, v4;
	v10 =	vperm.xlane v0, v8  }
0x2f: {  	s5 =	simm.s32 $0x1440;
	v5 =	vperm.xlane v1, v8;
	v8 =	vperm.xlane v1, v18;
	v18 =	vld [tilespmem:s4+$0x10]  }
0x30: {  	s7 =	simm.s32 $0xAC0;
	s6 =	simm.s32 $0x0;
	[tilespmem:s5+$0x30] =	vst v21;
	v21 =	vmul.f32 v13, v17;
	v17 =	vld [tilespmem:s4+$0x20];
	v13 =	vperm.xlane v1, v22  }
.LBB2_1:
0x31: {  	v22 =	vld [tilespmem:s7+$0x30];
	s6 =	sadd.s32 $0x80, s6;
	v6 =	vmul.f32 v20, v6;
	v7 =	vmul.f32 v7, v14  }
0x32: {  	v14 =	vld [tilespmem:s7+$0xFFFFFFD0];
	p0 =	slt.u32 s6, $0x980;
	v2 =	vadd.f32 v2, v21;
	v9 =	vmul.f32 v9, v15  }
0x33: {  	s4 =	sadd.s32 $0x80, s4;
	v15 =	vld [tilespmem:s7+$0xFFFFFFE0];
	v6 =	vadd.f32 v19, v6;
	v3 =	vadd.f32 v3, v7;
	v7 =	vmul.f32 v10, v16  }
0x34: {  	v10 =	vld [tilespmem:s4+$0x30];
	[tilespmem:s5+$0xFFFFFFD0] =	vst v2;
	v2 =	vadd.f32 v4, v9;
	v4 =	vmul.f32 v11, v18  }
0x35: {  	v9 =	vld [tilespmem:s7+$0xFFFFFFF0];
	[tilespmem:s5+$0xFFFFFFC0] =	vst v6;
	v5 =	vadd.f32 v5, v7;
	v6 =	vmul.f32 v12, v17  }
0x36: {  	v11 =	vld [tilespmem:s7+$0x0];
	v7 =	vand.u32 $0xF, v22;
	[tilespmem:s5+$0xFFFFFFE0] =	vst v3;
	v3 =	vadd.f32 v8, v4  }
0x37: {  	v4 =	vand.u32 $0xF, v14;
	v8 =	vld [tilespmem:s7+$0x10];
	v12 =	vperm.xlane v0, v7;
	[tilespmem:s5+$0xFFFFFFF0] =	vst v2;
	v13 =	vadd.f32 v13, v6  }
0x38: {  	v17 =	vperm.xlane v0, v4;
	v2 =	vperm.xlane v1, v4;
	v4 =	vand.u32 $0xF, v15;
	v16 =	vld [tilespmem:s7+$0x20];
	[tilespmem:s5+$0x0] =	vst v5  }
0x39: {  	v5 =	vperm.xlane v1, v7;
	v18 =	vld [tilespmem:s7+$0xFFFFFFC0];
	v10 =	vmul.f32 v12, v10;
	[tilespmem:s5+$0x10] =	vst v3  }
0x3a: {  	v7 =	vperm.xlane v0, v4;
	v3 =	vperm.xlane v1, v4;
	v6 =	vld [tilespmem:s4+$0xFFFFFFC0];
	v4 =	vand.u32 $0xF, v9;
	[tilespmem:s5+$0x20] =	vst v13  }
0x3b: {  	v13 =	vld [tilespmem:s4+$0xFFFFFFD0];
	v9 =	vperm.xlane v0, v4;
	v11 =	vand.u32 $0xF, v11;
	v12 =	vadd.f32 v5, v10  }
.Ltmp0:
0x3c: {  	s5 =	sadd.s32 $0x80, s5;
	v4 =	vperm.xlane v1, v4;
	v14 =	vld [tilespmem:s4+$0xFFFFFFE0];
	v10 =	vperm.xlane v0, v11;
	v8 =	vand.u32 $0xF, v8;
	(pc) =	sbr.rel @p0 .LBB2_1-.Ltmp0, $4  }
0x3d: {  	v5 =	vperm.xlane v1, v11;
	v15 =	vld [tilespmem:s4+$0xFFFFFFF0];
	v11 =	vperm.xlane v0, v8;
	v22 =	vand.u32 $0xF, v16;
	[tilespmem:s5+$0x30] =	vst v12  }
0x3e: {  	v8 =	vperm.xlane v1, v8;
	v18 =	vand.u32 $0xF, v18;
	v16 =	vld [tilespmem:s4+$0x0];
	v12 =	vperm.xlane v0, v22  }
0x3f: {  	v20 =	vperm.xlane v0, v18;
	v19 =	vperm.xlane v1, v18;
	v18 =	vld [tilespmem:s4+$0x10]  }
0x40: {  	s7 =	sadd.s32 $0x80, s7;
	v21 =	vmul.f32 v17, v13;
	v17 =	vld [tilespmem:s4+$0x20];
	v13 =	vperm.xlane v1, v22  }
0x41: {  	v0 =	vmul.f32 v20, v6  }
0x42: {  	v1 =	vmul.f32 v7, v14;
	v2 =	vadd.f32 v2, v21  }
0x43: {  	v56 =	vmul.f32 v9, v15;
	v0 =	vadd.f32 v19, v0  }
0x44: {  	v1 =	vadd.f32 v3, v1;
	v57 =	vmul.f32 v10, v16;
	[tilespmem:s5+$0xFFFFFFD0] =	vst v2  }
0x45: {  	v58 =	vadd.f32 v4, v56;
	v59 =	vmul.f32 v11, v18;
	[tilespmem:s5+$0xFFFFFFC0] =	vst v0  }
0x46: {  	v60 =	vadd.f32 v5, v57;
	v61 =	vmul.f32 v12, v17;
	[tilespmem:s5+$0xFFFFFFE0] =	vst v1  }
0x47: {  	v62 =	vadd.f32 v8, v59;
	[tilespmem:s5+$0xFFFFFFF0] =	vst v58  }
0x48: {  	v63 =	vadd.f32 v13, v61;
	[tilespmem:s5+$0x0] =	vst v60  }
0x49: {  	s2 =	sadd.s32 s2, s3;
	[tilespmem:s5+$0x10] =	vst v62  }
0x4a: {  	s30 =	simm.s32 $0x0;
	s4 =	simm.s32 $0x1400;
	s31 =	simm.s32 $0x4;
	[tilespmem:s5+$0x20] =	vst v63  }
0x4b: {  	[hbm4b:s2+s30] =	stream.linear.scatter [tilespmem:s4], [sflag:$0x4], $0xA00, $0x38;
	[tilespmem:$0x1F00] =	vst v63  }
0x4c: {  	_ =	swait.ge [sflag:s31], $0xA00  }
0x4d: {  	[sflag:s31] =	ssyncset.done $0x0  }
0x4e: {  	[sflag:s31] =	ssyncadd.s32 $0xFFFFF600  }
0x4f: {  	_ =	sfence.sel $0x180000  }
0x50: {  	[bflag:$0x0] =	sbarrier.arrive $0xFFFF  }
0x51: {  	p0 =	sne.s32 s0, $0x0;
	_ =	strace $0x90000047  }
0x52: {  	s0 =	sadd.s32 @!p0 $0x100000, s1;
	[bflag:$0x2] =	sbarrier.arrive $0xFFFF  }
0x53: {  	[sflag:s0] =	ssyncadd.tile.s32 @!p0 $0x1;
	_ =	shalt  }
.Lfunc_end2:
_tile_overlayer_lowered:
.L_overlay_start_2:
0x54: {  	(tag) =	ssettag $0x2  }
0x55: {  	s0 =	rddreg [dreg:$0x0];
	s2 =	stileid.u32  }
0x56: {  	s1 =	rddreg [dreg:$0x1];
	p0 =	sne.s32 s2, $0x0  }
0x57: {  	s3 =	rddreg [dreg:$0x2];
	[bflag:$0x3] =	sbarrier.arrive $0xFFFF;
	s2 =	simm.s32 @!p0 $0x1C04  }
0x58: {  	[timem:s3], [sflag:s2] =	dma.local @!p0 [hbm:s0], s1  }
0x59: {  	s0 =	simm.s32 @!p0 $0x4  }
0x5a: {  	_ =	swait.ge @!p0 [sflag:s0], s1  }
0x5b: {  	s1 =	ssub.s32 @!p0 $0x0, s1;
	[sflag:s0] =	ssyncset.done @!p0 $0x0  }
0x5c: {  	[sflag:s0] =	ssyncadd.s32 @!p0 s1  }
0x5d: {  	[bflag:$0x3] =	sbarrier.arrive $0xFFFF  }
0x5e: {  	_ =	shalt  }

</sc_bundles>
